<compile_context>
chip_gen: v7x
topology: tpu7x:2x2x1
jax: 0.10.2.dev20260603
libtpu: 0.0.44.dev20260713+nightly
codegen_flags: <defaults>
</compile_context>

<pallas_src>
import functools

import jax
import jax.numpy as jnp
from jax import lax
from jax.experimental import pallas as pl
from jax.experimental.pallas import tpu as pltpu
from jax.experimental.pallas import tpu_sc as plsc

_B, _T, _D = 8, 4, 2048
_E, _TOPK, _I, _NS = 8, 2, 512, 2
_N = _B * _T
_L = 16


def _gate_body(x_ref, gwT_ref, logits_ref):
    logits_ref[...] = jnp.dot(x_ref[...], gwT_ref[...],
                              preferred_element_type=jnp.float32)


def _routing_body(logits_hbm, gb_hbm, scores_hbm, g_hbm, l_v, gb_v, sc_v, g_v):
    t = lax.axis_index("s") * 2 + lax.axis_index("c")
    pltpu.sync_copy(logits_hbm.at[t], l_v)
    pltpu.sync_copy(gb_hbm, gb_v)

    iota = lax.iota(jnp.int32, _L)
    logits = l_v[...]
    sig = 1.0 / (1.0 + jnp.exp(-logits))
    scores = sig + gb_v[...]
    sc_v[...] = scores

    ninf = jnp.float32(-jnp.inf)
    z = jnp.where(iota < _E, scores, ninf)
    m1 = jnp.max(z)
    t1i = jnp.min(jnp.where(z == m1, iota, _L))
    masked = jnp.where(iota == t1i, ninf, z)
    m2 = jnp.max(masked)
    t2i = jnp.min(jnp.where(masked == m2, iota, _L))
    num = jnp.where(iota == t1i, m1, 0.0) + jnp.where(iota == t2i, m2, 0.0)
    g_v[...] = num / (m1 + m2)

    pltpu.sync_copy(sc_v, scores_hbm.at[t])
    pltpu.sync_copy(g_v, g_hbm.at[t])


def _routing(logits16, gb_pad):
    mesh = plsc.VectorSubcoreMesh(core_axis_name="c", subcore_axis_name="s")
    return pl.kernel(
        _routing_body,
        mesh=mesh,
        out_type=[jax.ShapeDtypeStruct((_N, _L), jnp.float32),
                  jax.ShapeDtypeStruct((_N, _L), jnp.float32)],
        scratch_types=[pltpu.VMEM((_L,), jnp.float32),
                       pltpu.VMEM((_L,), jnp.float32),
                       pltpu.VMEM((_L,), jnp.float32),
                       pltpu.VMEM((_L,), jnp.float32)],
        compiler_params=pltpu.CompilerParams(needs_layout_passes=False),
    )(logits16, gb_pad)


def _shared_body(x_ref, w1s_ref, w3s_ref, w2s_ref, out_ref):
    s = pl.program_id(0)
    xv = x_ref[...]
    h = jax.nn.silu(jnp.dot(xv, w1s_ref[...], preferred_element_type=jnp.float32)
                    * jnp.dot(xv, w3s_ref[...], preferred_element_type=jnp.float32))
    contrib = jnp.dot(h, w2s_ref[...], preferred_element_type=jnp.float32)

    @pl.when(s == 0)
    def _init():
        out_ref[...] = contrib

    @pl.when(s > 0)
    def _acc():
        out_ref[...] += contrib


def _routed_body(x_ref, g_ref, prev_ref, w1r_ref, w3r_ref, w2r_ref, out_ref):
    s = pl.program_id(0)
    xv = x_ref[...]
    iota = jax.lax.broadcasted_iota(jnp.int32, (_N, _L), 1)
    wtok = jnp.sum(jnp.where(iota == s, g_ref[...], 0.0),
                   axis=1, keepdims=True)
    h = jax.nn.silu(jnp.dot(xv, w1r_ref[0], preferred_element_type=jnp.float32)
                    * jnp.dot(xv, w3r_ref[0], preferred_element_type=jnp.float32))
    contrib = jnp.dot(wtok * h, w2r_ref[0], preferred_element_type=jnp.float32)

    @pl.when(s == 0)
    def _init():
        out_ref[...] = prev_ref[...] + contrib

    @pl.when(s > 0)
    def _acc():
        out_ref[...] += contrib


@functools.partial(jax.jit, static_argnames=())
def kernel(x, w1_shared, w2_shared, w3_shared, w1_routed, w2_routed, w3_routed,
           gate_w, gate_b):
    x2d = x.reshape(_N, _D)
    gwT_pad = jnp.pad(gate_w.T, ((0, 0), (0, _L - _E)))
    gb_pad = jnp.pad(gate_b, (0, _L - _E))

    logits16 = pl.pallas_call(
        _gate_body,
        out_shape=jax.ShapeDtypeStruct((_N, _L), jnp.float32),
    )(x2d, gwT_pad)

    shared2d = pl.pallas_call(
        _shared_body,
        grid=(_NS,),
        in_specs=[
            pl.BlockSpec((_N, _D), lambda i: (0, 0)),
            pl.BlockSpec((_D, _I), lambda i: (0, i)),
            pl.BlockSpec((_D, _I), lambda i: (0, i)),
            pl.BlockSpec((_I, _D), lambda i: (i, 0)),
        ],
        out_specs=pl.BlockSpec((_N, _D), lambda i: (0, 0)),
        out_shape=jax.ShapeDtypeStruct((_N, _D), jnp.float32),
        compiler_params=pltpu.CompilerParams(
            dimension_semantics=("arbitrary",),
        ),
    )(x2d, w1_shared, w3_shared, w2_shared)

    scores16, g16 = _routing(logits16, gb_pad)

    out2d = pl.pallas_call(
        _routed_body,
        grid=(_E,),
        in_specs=[
            pl.BlockSpec((_N, _D), lambda i: (0, 0)),
            pl.BlockSpec((_N, _L), lambda i: (0, 0)),
            pl.BlockSpec((_N, _D), lambda i: (0, 0)),
            pl.BlockSpec((1, _D, _I), lambda i: (i, 0, 0)),
            pl.BlockSpec((1, _D, _I), lambda i: (i, 0, 0)),
            pl.BlockSpec((1, _I, _D), lambda i: (i, 0, 0)),
        ],
        out_specs=pl.BlockSpec((_N, _D), lambda i: (0, 0)),
        out_shape=jax.ShapeDtypeStruct((_N, _D), jnp.float32),
        compiler_params=pltpu.CompilerParams(
            dimension_semantics=("arbitrary",),
        ),
    )(x2d, g16, shared2d, w1_routed, w3_routed, w2_routed)

    return (out2d.reshape(_B, _T, _D), scores16[:, :_E].reshape(_B, _T, _E))

# --- scband reference (transcript-rebuilt; emitter-appended) ---
"""Pipeline reference for scband-ffn-40166534152786 (READ-ONLY COPY).

The authoritative reference and input builder live on the scoring server;
editing this copy changes nothing except your own understanding.
"""

import jax, jax.numpy as jnp
import numpy as np

B, T, D = 8, 4, 2048
E, TOPK, I, NS = 8, 2, 512, 2


def setup_inputs(seed: int = 0) -> dict:
    key = jax.random.key(seed)
    ks = jax.random.split(key, 9)
    scale = 0.02
    return {
        "x": jax.random.normal(ks[0], (B, T, D), dtype=jnp.float32),
        "w1_shared": jax.random.normal(ks[1], (D, I * NS), dtype=jnp.float32) * scale,
        "w2_shared": jax.random.normal(ks[2], (I * NS, D), dtype=jnp.float32) * scale,
        "w3_shared": jax.random.normal(ks[3], (D, I * NS), dtype=jnp.float32) * scale,
        "w1_routed": jax.random.normal(ks[4], (E, D, I), dtype=jnp.float32) * scale,
        "w2_routed": jax.random.normal(ks[5], (E, I, D), dtype=jnp.float32) * scale,
        "w3_routed": jax.random.normal(ks[6], (E, D, I), dtype=jnp.float32) * scale,
        "gate_w": jax.random.normal(ks[7], (E, D), dtype=jnp.float32) * scale,
        "gate_b": jnp.zeros((E,), dtype=jnp.float32),
    }


def _swiglu(x, w1, w2, w3):
    # faithful to source: silu((x @ w1) * (x @ w3)) @ w2
    return jax.nn.silu((x @ w1) * (x @ w3)) @ w2


def reference(x, w1_shared, w2_shared, w3_shared, w1_routed, w2_routed, w3_routed, gate_w, gate_b):
    b, t, d = x.shape
    # Gate
    logits = jnp.einsum('ed,btd->bte', gate_w, x)
    scores = jax.nn.sigmoid(logits) + gate_b
    weights, indices = jax.lax.top_k(scores, TOPK)
    weights = weights / weights.sum(-1, keepdims=True)
    # Flatten token-expert pairs: (b t tk)
    w_flat = weights.reshape(-1)
    i_flat = indices.reshape(-1)
    x_flat = jnp.repeat(x.reshape(b * t, d), TOPK, axis=0)
    # Routed experts: gather per-pair expert weights and apply swiglu
    def per_pair(i, w, xv):
        return w * _swiglu(xv, w1_routed[i], w2_routed[i], w3_routed[i])
    out = jax.vmap(per_pair)(i_flat, w_flat, x_flat)
    out = out.reshape(b, t, TOPK, d).sum(axis=2)
    # Shared experts
    out = out + _swiglu(x, w1_shared, w2_shared, w3_shared)
    return (out, scores)

if __name__ == "__main__":
    import jax
    _d = setup_inputs()
    print(jax.jit(kernel)(*tuple(_d.values())))

</pallas_src>

<mosaic_0001>
#map = affine_map<(d0, d1) -> (0, 0)>
#map1 = affine_map<(d0, d1) -> (0)>
module attributes {stable_mosaic.version = 14 : i64} {
  func.func @_routing_body(%arg0: i32, %arg1: i32, %arg2: memref<32x16xf32, #tpu.memory_space<hbm>>, %arg3: memref<16xf32, #tpu.memory_space<hbm>>, %arg4: memref<32x16xf32, #tpu.memory_space<hbm>>, %arg5: memref<32x16xf32, #tpu.memory_space<hbm>>, %arg6: memref<16xf32, #tpu.memory_space<vmem>>, %arg7: memref<16xf32, #tpu.memory_space<vmem>>, %arg8: memref<16xf32, #tpu.memory_space<vmem>>, %arg9: memref<16xf32, #tpu.memory_space<vmem>>) attributes {dimension_semantics = [#tpu.dimension_semantics<core_parallel>, #tpu.dimension_semantics<subcore_parallel>], iteration_bounds = array<i64: 2, 16>, scalar_prefetch = 0 : i64, scratch_operands = 4 : i64, tpu.core_type = #tpu.core_type<sc_vector_subcore>, window_params = [{transform_indices = #map}, {transform_indices = #map1}, {transform_indices = #map}, {transform_indices = #map}]} {
    %mul3A = arith.constant 2 : i32
    %mul3A_0 = arith.muli %arg1, %mul3A : i32
    %add3A = arith.addi %mul3A_0, %arg0 : i32
    "tpu.region"() ({
      %run_scoped3A = tpu.sem_alloc : memref<!tpu.dma_semaphore, #tpu.memory_space<semaphore_mem>>
      %dma_start3A = arith.constant 0 : i32
      %dma_start3A_69 = tpu.memref_slice %arg2[%add3A, %dma_start3A] : memref<32x16xf32, #tpu.memory_space<hbm>> -> memref<1x16xf32, #tpu.memory_space<hbm>>
      %dma_start3A_70 = tpu.memref_squeeze %dma_start3A_69 : memref<1x16xf32, #tpu.memory_space<hbm>> -> memref<16xf32, #tpu.memory_space<hbm>>
      %dma_start3A_71 = arith.constant 0 : i32
      %dma_start3A_72 = tpu.memref_slice %arg2[%add3A, %dma_start3A_71] : memref<32x16xf32, #tpu.memory_space<hbm>> -> memref<1x16xf32, #tpu.memory_space<hbm>>
      %dma_start3A_73 = tpu.memref_squeeze %dma_start3A_72 : memref<1x16xf32, #tpu.memory_space<hbm>> -> memref<16xf32, #tpu.memory_space<hbm>>
      tpu.enqueue_dma source(%dma_start3A_73 : memref<16xf32, #tpu.memory_space<hbm>>) target(%arg6 : memref<16xf32, #tpu.memory_space<vmem>>) target_semaphore(%run_scoped3A : memref<!tpu.dma_semaphore, #tpu.memory_space<semaphore_mem>>)
      %dma_wait3A = arith.constant 0 : i32
      %dma_wait3A_74 = tpu.memref_slice %arg2[%add3A, %dma_wait3A] : memref<32x16xf32, #tpu.memory_space<hbm>> -> memref<1x16xf32, #tpu.memory_space<hbm>>
      %dma_wait3A_75 = tpu.memref_squeeze %dma_wait3A_74 : memref<1x16xf32, #tpu.memory_space<hbm>> -> memref<16xf32, #tpu.memory_space<hbm>>
      %dma_wait3A_76 = arith.constant 0 : i32
      %dma_wait3A_77 = tpu.memref_slice %arg2[%add3A, %dma_wait3A_76] : memref<32x16xf32, #tpu.memory_space<hbm>> -> memref<1x16xf32, #tpu.memory_space<hbm>>
      %dma_wait3A_78 = tpu.memref_squeeze %dma_wait3A_77 : memref<1x16xf32, #tpu.memory_space<hbm>> -> memref<16xf32, #tpu.memory_space<hbm>>
      tpu.wait_dma2 semaphore(%run_scoped3A : memref<!tpu.dma_semaphore, #tpu.memory_space<semaphore_mem>>) src(%dma_wait3A_78 : memref<16xf32, #tpu.memory_space<hbm>>) dst(%arg6 : memref<16xf32, #tpu.memory_space<vmem>>)
      tpu.yield
    }) : () -> ()
    "tpu.region"() ({
      %run_scoped3A = tpu.sem_alloc : memref<!tpu.dma_semaphore, #tpu.memory_space<semaphore_mem>>
      tpu.enqueue_dma source(%arg3 : memref<16xf32, #tpu.memory_space<hbm>>) target(%arg7 : memref<16xf32, #tpu.memory_space<vmem>>) target_semaphore(%run_scoped3A : memref<!tpu.dma_semaphore, #tpu.memory_space<semaphore_mem>>)
      tpu.wait_dma2 semaphore(%run_scoped3A : memref<!tpu.dma_semaphore, #tpu.memory_space<semaphore_mem>>) src(%arg3 : memref<16xf32, #tpu.memory_space<hbm>>) dst(%arg7 : memref<16xf32, #tpu.memory_space<vmem>>)
      tpu.yield
    }) : () -> ()
    %iota3A = tpu.iota {dimensions = array<i32: 0>} : vector<16xi32>
    %get3A = arith.constant 0 : index
    %get3A_1 = tpu.vector_load %arg6[%get3A] {strides = array<i32>} : memref<16xf32, #tpu.memory_space<vmem>>, vector<16xf32>,
    %neg3A = arith.constant 0.000000e+00 : f32
    %neg3A_2 = vector.broadcast %neg3A : f32 to vector<16xf32>
    %neg3A_3 = arith.subf %neg3A_2, %get3A_1 : vector<16xf32>
    %exp3A = math.exp %neg3A_3 : vector<16xf32>
    %add3A_4 = arith.constant 1.000000e+00 : f32
    %add3A_5 = vector.broadcast %add3A_4 : f32 to vector<16xf32>
    %add3A_6 = arith.addf %add3A_5, %exp3A : vector<16xf32>
    %div3A = arith.constant 1.000000e+00 : f32
    %div3A_7 = vector.broadcast %div3A : f32 to vector<16xf32>
    %div3A_8 = arith.divf %div3A_7, %add3A_6 : vector<16xf32>
    %get3A_9 = arith.constant 0 : index
    %get3A_10 = tpu.vector_load %arg7[%get3A_9] {strides = array<i32>} : memref<16xf32, #tpu.memory_space<vmem>>, vector<16xf32>,
    %add3A_11 = arith.addf %div3A_8, %get3A_10 : vector<16xf32>
    %swap3A = arith.constant 0 : index
    %swap3A_12 = tpu.vector_load %arg8[%swap3A] {strides = array<i32>} : memref<16xf32, #tpu.memory_space<vmem>>, vector<16xf32>,
    tpu.vector_store %arg8[%swap3A], %add3A_11 {strides = array<i32>} : memref<16xf32, #tpu.memory_space<vmem>>, vector<16xf32>,
    %lt3A = arith.constant 8 : i32
    %lt3A_13 = vector.broadcast %lt3A : i32 to vector<16xi32>
    %lt3A_14 = arith.cmpi slt, %iota3A, %lt3A_13 : vector<16xi32>
    %jit3A = arith.constant 0xFF800000 : f32
    %broadcast_in_dim3A = vector.broadcast %jit3A : f32 to vector<16xf32>
    %select_n3A = arith.select %lt3A_14, %add3A_11, %broadcast_in_dim3A : vector<16xi1>, vector<16xf32>
    %reduce_max3A = arith.constant true
    %reduce_max3A_15 = vector.broadcast %reduce_max3A : i1 to vector<16xi1>
    %reduce_max3A_16 = tpu.scan <max>, %select_n3A masked %reduce_max3A_15 : vector<16xf32>, vector<16xi1> -> vector<16xf32>
    %reduce_max3A_17 = vector.extract %reduce_max3A_16[15] : f32 from vector<16xf32>
    %eq3A = vector.broadcast %reduce_max3A_17 : f32 to vector<16xf32>
    %eq3A_18 = arith.cmpf oeq, %select_n3A, %eq3A : vector<16xf32>
    %jit3A_19 = arith.constant 16 : i32
    %broadcast_in_dim3A_20 = vector.broadcast %jit3A_19 : i32 to vector<16xi32>
    %select_n3A_21 = arith.select %eq3A_18, %iota3A, %broadcast_in_dim3A_20 : vector<16xi1>, vector<16xi32>
    %reduce_min3A = arith.constant true
    %reduce_min3A_22 = vector.broadcast %reduce_min3A : i1 to vector<16xi1>
    %reduce_min3A_23 = arith.constant -2147483648 : i32
    %reduce_min3A_24 = vector.broadcast %reduce_min3A_23 : i32 to vector<16xi32>
    %reduce_min3A_25 = arith.xori %select_n3A_21, %reduce_min3A_24 : vector<16xi32>
    %reduce_min3A_26 = tpu.scan <min>, %reduce_min3A_25 masked %reduce_min3A_22 : vector<16xi32>, vector<16xi1> -> vector<16xi32>
    %reduce_min3A_27 = arith.xori %reduce_min3A_26, %reduce_min3A_24 : vector<16xi32>
    %reduce_min3A_28 = vector.extract %reduce_min3A_27[15] : i32 from vector<16xi32>
    %eq3A_29 = vector.broadcast %reduce_min3A_28 : i32 to vector<16xi32>
    %eq3A_30 = arith.cmpi eq, %iota3A, %eq3A_29 : vector<16xi32>
    %jit3A_31 = arith.constant 0xFF800000 : f32
    %broadcast_in_dim3A_32 = vector.broadcast %jit3A_31 : f32 to vector<16xf32>
    %select_n3A_33 = arith.select %eq3A_30, %broadcast_in_dim3A_32, %select_n3A : vector<16xi1>, vector<16xf32>
    %reduce_max3A_34 = arith.constant true
    %reduce_max3A_35 = vector.broadcast %reduce_max3A_34 : i1 to vector<16xi1>
    %reduce_max3A_36 = tpu.scan <max>, %select_n3A_33 masked %reduce_max3A_35 : vector<16xf32>, vector<16xi1> -> vector<16xf32>
    %reduce_max3A_37 = vector.extract %reduce_max3A_36[15] : f32 from vector<16xf32>
    %eq3A_38 = vector.broadcast %reduce_max3A_37 : f32 to vector<16xf32>
    %eq3A_39 = arith.cmpf oeq, %select_n3A_33, %eq3A_38 : vector<16xf32>
    %jit3A_40 = arith.constant 16 : i32
    %broadcast_in_dim3A_41 = vector.broadcast %jit3A_40 : i32 to vector<16xi32>
    %select_n3A_42 = arith.select %eq3A_39, %iota3A, %broadcast_in_dim3A_41 : vector<16xi1>, vector<16xi32>
    %reduce_min3A_43 = arith.constant true
    %reduce_min3A_44 = vector.broadcast %reduce_min3A_43 : i1 to vector<16xi1>
    %reduce_min3A_45 = arith.constant -2147483648 : i32
    %reduce_min3A_46 = vector.broadcast %reduce_min3A_45 : i32 to vector<16xi32>
    %reduce_min3A_47 = arith.xori %select_n3A_42, %reduce_min3A_46 : vector<16xi32>
    %reduce_min3A_48 = tpu.scan <min>, %reduce_min3A_47 masked %reduce_min3A_44 : vector<16xi32>, vector<16xi1> -> vector<16xi32>
    %reduce_min3A_49 = arith.xori %reduce_min3A_48, %reduce_min3A_46 : vector<16xi32>
    %reduce_min3A_50 = vector.extract %reduce_min3A_49[15] : i32 from vector<16xi32>
    %eq3A_51 = vector.broadcast %reduce_min3A_28 : i32 to vector<16xi32>
    %eq3A_52 = arith.cmpi eq, %iota3A, %eq3A_51 : vector<16xi32>
    %jit3A_53 = arith.constant 0.000000e+00 : f32
    %broadcast_in_dim3A_54 = vector.broadcast %reduce_max3A_17 : f32 to vector<16xf32>
    %broadcast_in_dim3A_55 = vector.broadcast %jit3A_53 : f32 to vector<16xf32>
    %select_n3A_56 = arith.select %eq3A_52, %broadcast_in_dim3A_54, %broadcast_in_dim3A_55 : vector<16xi1>, vector<16xf32>
    %eq3A_57 = vector.broadcast %reduce_min3A_50 : i32 to vector<16xi32>
    %eq3A_58 = arith.cmpi eq, %iota3A, %eq3A_57 : vector<16xi32>
    %jit3A_59 = arith.constant 0.000000e+00 : f32
    %broadcast_in_dim3A_60 = vector.broadcast %reduce_max3A_37 : f32 to vector<16xf32>
    %broadcast_in_dim3A_61 = vector.broadcast %jit3A_59 : f32 to vector<16xf32>
    %select_n3A_62 = arith.select %eq3A_58, %broadcast_in_dim3A_60, %broadcast_in_dim3A_61 : vector<16xi1>, vector<16xf32>
    %add3A_63 = arith.addf %select_n3A_56, %select_n3A_62 : vector<16xf32>
    %add3A_64 = arith.addf %reduce_max3A_17, %reduce_max3A_37 : f32
    %div3A_65 = vector.broadcast %add3A_64 : f32 to vector<16xf32>
    %div3A_66 = arith.divf %add3A_63, %div3A_65 : vector<16xf32>
    %swap3A_67 = arith.constant 0 : index
    %swap3A_68 = tpu.vector_load %arg9[%swap3A_67] {strides = array<i32>} : memref<16xf32, #tpu.memory_space<vmem>>, vector<16xf32>,
    tpu.vector_store %arg9[%swap3A_67], %div3A_66 {strides = array<i32>} : memref<16xf32, #tpu.memory_space<vmem>>, vector<16xf32>,
    "tpu.region"() ({
      %run_scoped3A = tpu.sem_alloc : memref<!tpu.dma_semaphore, #tpu.memory_space<semaphore_mem>>
      %dma_start3A = arith.constant 0 : i32
      %dma_start3A_69 = tpu.memref_slice %arg4[%add3A, %dma_start3A] : memref<32x16xf32, #tpu.memory_space<hbm>> -> memref<1x16xf32, #tpu.memory_space<hbm>>
      %dma_start3A_70 = tpu.memref_squeeze %dma_start3A_69 : memref<1x16xf32, #tpu.memory_space<hbm>> -> memref<16xf32, #tpu.memory_space<hbm>>
      %dma_start3A_71 = arith.constant 0 : i32
      %dma_start3A_72 = tpu.memref_slice %arg4[%add3A, %dma_start3A_71] : memref<32x16xf32, #tpu.memory_space<hbm>> -> memref<1x16xf32, #tpu.memory_space<hbm>>
      %dma_start3A_73 = tpu.memref_squeeze %dma_start3A_72 : memref<1x16xf32, #tpu.memory_space<hbm>> -> memref<16xf32, #tpu.memory_space<hbm>>
      tpu.enqueue_dma source(%arg8 : memref<16xf32, #tpu.memory_space<vmem>>) target(%dma_start3A_73 : memref<16xf32, #tpu.memory_space<hbm>>) target_semaphore(%run_scoped3A : memref<!tpu.dma_semaphore, #tpu.memory_space<semaphore_mem>>)
      %dma_wait3A = arith.constant 0 : i32
      %dma_wait3A_74 = tpu.memref_slice %arg4[%add3A, %dma_wait3A] : memref<32x16xf32, #tpu.memory_space<hbm>> -> memref<1x16xf32, #tpu.memory_space<hbm>>
      %dma_wait3A_75 = tpu.memref_squeeze %dma_wait3A_74 : memref<1x16xf32, #tpu.memory_space<hbm>> -> memref<16xf32, #tpu.memory_space<hbm>>
      %dma_wait3A_76 = arith.constant 0 : i32
      %dma_wait3A_77 = tpu.memref_slice %arg4[%add3A, %dma_wait3A_76] : memref<32x16xf32, #tpu.memory_space<hbm>> -> memref<1x16xf32, #tpu.memory_space<hbm>>
      %dma_wait3A_78 = tpu.memref_squeeze %dma_wait3A_77 : memref<1x16xf32, #tpu.memory_space<hbm>> -> memref<16xf32, #tpu.memory_space<hbm>>
      tpu.wait_dma2 semaphore(%run_scoped3A : memref<!tpu.dma_semaphore, #tpu.memory_space<semaphore_mem>>) src(%arg8 : memref<16xf32, #tpu.memory_space<vmem>>) dst(%dma_wait3A_78 : memref<16xf32, #tpu.memory_space<hbm>>)
      tpu.yield
    }) : () -> ()
    "tpu.region"() ({
      %run_scoped3A = tpu.sem_alloc : memref<!tpu.dma_semaphore, #tpu.memory_space<semaphore_mem>>
      %dma_start3A = arith.constant 0 : i32
      %dma_start3A_69 = tpu.memref_slice %arg5[%add3A, %dma_start3A] : memref<32x16xf32, #tpu.memory_space<hbm>> -> memref<1x16xf32, #tpu.memory_space<hbm>>
      %dma_start3A_70 = tpu.memref_squeeze %dma_start3A_69 : memref<1x16xf32, #tpu.memory_space<hbm>> -> memref<16xf32, #tpu.memory_space<hbm>>
      %dma_start3A_71 = arith.constant 0 : i32
      %dma_start3A_72 = tpu.memref_slice %arg5[%add3A, %dma_start3A_71] : memref<32x16xf32, #tpu.memory_space<hbm>> -> memref<1x16xf32, #tpu.memory_space<hbm>>
      %dma_start3A_73 = tpu.memref_squeeze %dma_start3A_72 : memref<1x16xf32, #tpu.memory_space<hbm>> -> memref<16xf32, #tpu.memory_space<hbm>>
      tpu.enqueue_dma source(%arg9 : memref<16xf32, #tpu.memory_space<vmem>>) target(%dma_start3A_73 : memref<16xf32, #tpu.memory_space<hbm>>) target_semaphore(%run_scoped3A : memref<!tpu.dma_semaphore, #tpu.memory_space<semaphore_mem>>)
      %dma_wait3A = arith.constant 0 : i32
      %dma_wait3A_74 = tpu.memref_slice %arg5[%add3A, %dma_wait3A] : memref<32x16xf32, #tpu.memory_space<hbm>> -> memref<1x16xf32, #tpu.memory_space<hbm>>
      %dma_wait3A_75 = tpu.memref_squeeze %dma_wait3A_74 : memref<1x16xf32, #tpu.memory_space<hbm>> -> memref<16xf32, #tpu.memory_space<hbm>>
      %dma_wait3A_76 = arith.constant 0 : i32
      %dma_wait3A_77 = tpu.memref_slice %arg5[%add3A, %dma_wait3A_76] : memref<32x16xf32, #tpu.memory_space<hbm>> -> memref<1x16xf32, #tpu.memory_space<hbm>>
      %dma_wait3A_78 = tpu.memref_squeeze %dma_wait3A_77 : memref<1x16xf32, #tpu.memory_space<hbm>> -> memref<16xf32, #tpu.memory_space<hbm>>
      tpu.wait_dma2 semaphore(%run_scoped3A : memref<!tpu.dma_semaphore, #tpu.memory_space<semaphore_mem>>) src(%arg9 : memref<16xf32, #tpu.memory_space<vmem>>) dst(%dma_wait3A_78 : memref<16xf32, #tpu.memory_space<hbm>>)
      tpu.yield
    }) : () -> ()
    return
  }
}

module attributes {stable_mosaic.version = 14 : i64} {
  func.func @_shared_body(%arg0: i32, %arg1: memref<32x2048xf32, #tpu.memory_space<vmem>>, %arg2: memref<2048x512xf32, #tpu.memory_space<vmem>>, %arg3: memref<2048x512xf32, #tpu.memory_space<vmem>>, %arg4: memref<512x2048xf32, #tpu.memory_space<vmem>>, %arg5: memref<32x2048xf32, #tpu.memory_space<vmem>>) attributes {dimension_semantics = [#tpu.dimension_semantics<arbitrary>], iteration_bounds = array<i64: 2>, scalar_prefetch = 0 : i64, scratch_operands = 0 : i64, tpu.core_type = #tpu.core_type<tc>, window_params = [{pipeline_mode = #tpu.pipeline_mode<synchronous>, transform_indices = @transform_0, window_bounds = array<i64: 32, 2048>}, {transform_indices = @transform_1, window_bounds = array<i64: 2048, 512>}, {transform_indices = @transform_2, window_bounds = array<i64: 2048, 512>}, {transform_indices = @transform_3, window_bounds = array<i64: 512, 2048>}, {pipeline_mode = #tpu.pipeline_mode<synchronous>, transform_indices = @transform_4, window_bounds = array<i64: 32, 2048>}]} {
    %get3A = arith.constant 0 : index
    %get3A_0 = arith.constant 0 : index
    %get3A_1 = vector.load %arg1[%get3A, %get3A_0] : memref<32x2048xf32, #tpu.memory_space<vmem>>, vector<32x2048xf32>
    %get3A_2 = arith.constant 0 : index
    %get3A_3 = arith.constant 0 : index
    %get3A_4 = vector.load %arg2[%get3A_2, %get3A_3] : memref<2048x512xf32, #tpu.memory_space<vmem>>, vector<2048x512xf32>
    %dot_general3A = arith.constant dense<0.000000e+00> : vector<32x512xf32>
    %dot_general3A_5 = tpu.matmul %get3A_1, %get3A_4, %dot_general3A {dimension_numbers = #tpu.dot_dimension_numbers<[1], [0], [0], [1], [0, 0, 1, 1], [], []>, transpose_lhs_hint = false} : vector<32x2048xf32>, vector<2048x512xf32>, vector<32x512xf32> -> vector<32x512xf32>
    %get3A_6 = arith.constant 0 : index
    %get3A_7 = arith.constant 0 : index
    %get3A_8 = vector.load %arg3[%get3A_6, %get3A_7] : memref<2048x512xf32, #tpu.memory_space<vmem>>, vector<2048x512xf32>
    %dot_general3A_9 = arith.constant dense<0.000000e+00> : vector<32x512xf32>
    %dot_general3A_10 = tpu.matmul %get3A_1, %get3A_8, %dot_general3A_9 {dimension_numbers = #tpu.dot_dimension_numbers<[1], [0], [0], [1], [0, 0, 1, 1], [], []>, transpose_lhs_hint = false} : vector<32x2048xf32>, vector<2048x512xf32>, vector<32x512xf32> -> vector<32x512xf32>
    %mul3A = arith.mulf %dot_general3A_5, %dot_general3A_10 : vector<32x512xf32>
    %logistic3A = arith.negf %mul3A : vector<32x512xf32>
    %logistic3A_11 = math.exp %logistic3A : vector<32x512xf32>
    %logistic3A_12 = arith.constant 1.000000e+00 : f32
    %logistic3A_13 = vector.broadcast %logistic3A_12 : f32 to vector<32x512xf32>
    %logistic3A_14 = arith.addf %logistic3A_13, %logistic3A_11 : vector<32x512xf32>
    %logistic3A_15 = arith.divf %logistic3A_13, %logistic3A_14 : vector<32x512xf32>
    %mul3A_16 = arith.mulf %mul3A, %logistic3A_15 : vector<32x512xf32>
    %get3A_17 = arith.constant 0 : index
    %get3A_18 = arith.constant 0 : index
    %get3A_19 = vector.load %arg4[%get3A_17, %get3A_18] : memref<512x2048xf32, #tpu.memory_space<vmem>>, vector<512x2048xf32>
    %dot_general3A_20 = arith.constant dense<0.000000e+00> : vector<32x2048xf32>
    %dot_general3A_21 = tpu.matmul %mul3A_16, %get3A_19, %dot_general3A_20 {dimension_numbers = #tpu.dot_dimension_numbers<[1], [0], [0], [1], [0, 0, 1, 1], [], []>, transpose_lhs_hint = false} : vector<32x512xf32>, vector<512x2048xf32>, vector<32x2048xf32> -> vector<32x2048xf32>
    %eq3A = arith.constant 0 : i32
    %eq3A_22 = arith.cmpi eq, %arg0, %eq3A : i32
    %convert_element_type3A = arith.extui %eq3A_22 : i1 to i32
    %cond3A = arith.constant 0 : i32
    %cond3A_23 = arith.cmpi ne, %convert_element_type3A, %cond3A : i32
    scf.if %cond3A_23 {
      %swap3A = arith.constant 0 : index
      %swap3A_28 = arith.constant 0 : index
      %swap3A_29 = vector.load %arg5[%swap3A, %swap3A_28] : memref<32x2048xf32, #tpu.memory_space<vmem>>, vector<32x2048xf32>
      tpu.vector_store %arg5[%swap3A, %swap3A_28], %dot_general3A_21 {strides = array<i32>} : memref<32x2048xf32, #tpu.memory_space<vmem>>, vector<32x2048xf32>,
    } else {
    }
    %gt3A = arith.constant 0 : i32
    %gt3A_24 = arith.cmpi sgt, %arg0, %gt3A : i32
    %convert_element_type3A_25 = arith.extui %gt3A_24 : i1 to i32
    %cond3A_26 = arith.constant 0 : i32
    %cond3A_27 = arith.cmpi ne, %convert_element_type3A_25, %cond3A_26 : i32
    scf.if %cond3A_27 {
      %get3A_28 = arith.constant 0 : index
      %get3A_29 = arith.constant 0 : index
      %get3A_30 = vector.load %arg5[%get3A_28, %get3A_29] : memref<32x2048xf32, #tpu.memory_space<vmem>>, vector<32x2048xf32>
      %add3A = arith.addf %get3A_30, %dot_general3A_21 : vector<32x2048xf32>
      %swap3A = arith.constant 0 : index
      %swap3A_31 = arith.constant 0 : index
      %swap3A_32 = vector.load %arg5[%swap3A, %swap3A_31] : memref<32x2048xf32, #tpu.memory_space<vmem>>, vector<32x2048xf32>
      tpu.vector_store %arg5[%swap3A, %swap3A_31], %add3A {strides = array<i32>} : memref<32x2048xf32, #tpu.memory_space<vmem>>, vector<32x2048xf32>,
    } else {
    }
    return
  }
  func.func @transform_0(%arg0: i32) -> (i32, i32) {
    %c0_i32 = arith.constant 0 : i32
    %c0_i32_0 = arith.constant 0 : i32
    %c0_i32_1 = arith.constant 0 : i32
    return %c0_i32, %c0_i32_0 : i32, i32
  }
  func.func @transform_1(%arg0: i32) -> (i32, i32) {
    %c0_i32 = arith.constant 0 : i32
    %c0_i32_0 = arith.constant 0 : i32
    return %c0_i32, %arg0 : i32, i32
  }
  func.func @transform_2(%arg0: i32) -> (i32, i32) {
    %c0_i32 = arith.constant 0 : i32
    %c0_i32_0 = arith.constant 0 : i32
    return %c0_i32, %arg0 : i32, i32
  }
  func.func @transform_3(%arg0: i32) -> (i32, i32) {
    %c0_i32 = arith.constant 0 : i32
    %c0_i32_0 = arith.constant 0 : i32
    return %arg0, %c0_i32 : i32, i32
  }
  func.func @transform_4(%arg0: i32) -> (i32, i32) {
    %c0_i32 = arith.constant 0 : i32
    %c0_i32_0 = arith.constant 0 : i32
    %c0_i32_1 = arith.constant 0 : i32
    return %c0_i32, %c0_i32_0 : i32, i32
  }
}

module attributes {stable_mosaic.version = 14 : i64} {
  func.func @_gate_body(%arg0: memref<32x2048xf32, #tpu.memory_space<vmem>>, %arg1: memref<2048x16xf32, #tpu.memory_space<vmem>>, %arg2: memref<32x16xf32, #tpu.memory_space<vmem>>) attributes {dimension_semantics = [], scalar_prefetch = 0 : i64, scratch_operands = 0 : i64, tpu.core_type = #tpu.core_type<tc>} {
    %get3A = arith.constant 0 : index
    %get3A_0 = arith.constant 0 : index
    %get3A_1 = vector.load %arg0[%get3A, %get3A_0] : memref<32x2048xf32, #tpu.memory_space<vmem>>, vector<32x2048xf32>
    %get3A_2 = arith.constant 0 : index
    %get3A_3 = arith.constant 0 : index
    %get3A_4 = vector.load %arg1[%get3A_2, %get3A_3] : memref<2048x16xf32, #tpu.memory_space<vmem>>, vector<2048x16xf32>
    %dot_general3A = arith.constant dense<0.000000e+00> : vector<32x16xf32>
    %dot_general3A_5 = tpu.matmul %get3A_1, %get3A_4, %dot_general3A {dimension_numbers = #tpu.dot_dimension_numbers<[1], [0], [0], [1], [0, 0, 1, 1], [], []>, transpose_lhs_hint = false} : vector<32x2048xf32>, vector<2048x16xf32>, vector<32x16xf32> -> vector<32x16xf32>
    %swap3A = arith.constant 0 : index
    %swap3A_6 = arith.constant 0 : index
    %swap3A_7 = vector.load %arg2[%swap3A, %swap3A_6] : memref<32x16xf32, #tpu.memory_space<vmem>>, vector<32x16xf32>
    tpu.vector_store %arg2[%swap3A, %swap3A_6], %dot_general3A_5 {strides = array<i32>} : memref<32x16xf32, #tpu.memory_space<vmem>>, vector<32x16xf32>,
    return
  }
}

module attributes {stable_mosaic.version = 14 : i64} {
  func.func @_routed_body(%arg0: i32, %arg1: memref<32x2048xf32, #tpu.memory_space<vmem>>, %arg2: memref<32x16xf32, #tpu.memory_space<vmem>>, %arg3: memref<32x2048xf32, #tpu.memory_space<vmem>>, %arg4: memref<1x2048x512xf32, #tpu.memory_space<vmem>>, %arg5: memref<1x2048x512xf32, #tpu.memory_space<vmem>>, %arg6: memref<1x512x2048xf32, #tpu.memory_space<vmem>>, %arg7: memref<32x2048xf32, #tpu.memory_space<vmem>>) attributes {dimension_semantics = [#tpu.dimension_semantics<arbitrary>], iteration_bounds = array<i64: 8>, scalar_prefetch = 0 : i64, scratch_operands = 0 : i64, tpu.core_type = #tpu.core_type<tc>, window_params = [{pipeline_mode = #tpu.pipeline_mode<synchronous>, transform_indices = @transform_0, window_bounds = array<i64: 32, 2048>}, {pipeline_mode = #tpu.pipeline_mode<synchronous>, transform_indices = @transform_1, window_bounds = array<i64: 32, 16>}, {pipeline_mode = #tpu.pipeline_mode<synchronous>, transform_indices = @transform_2, window_bounds = array<i64: 32, 2048>}, {transform_indices = @transform_3, window_bounds = array<i64: 1, 2048, 512>}, {transform_indices = @transform_4, window_bounds = array<i64: 1, 2048, 512>}, {transform_indices = @transform_5, window_bounds = array<i64: 1, 512, 2048>}, {pipeline_mode = #tpu.pipeline_mode<synchronous>, transform_indices = @transform_6, window_bounds = array<i64: 32, 2048>}]} {
    %get3A = arith.constant 0 : index
    %get3A_0 = arith.constant 0 : index
    %get3A_1 = vector.load %arg1[%get3A, %get3A_0] : memref<32x2048xf32, #tpu.memory_space<vmem>>, vector<32x2048xf32>
    %iota3A = tpu.iota {dimensions = array<i32: 1>} : vector<32x16xi32>
    %eq3A = vector.broadcast %arg0 : i32 to vector<32x16xi32>
    %eq3A_2 = arith.cmpi eq, %iota3A, %eq3A : vector<32x16xi32>
    %get3A_3 = arith.constant 0 : index
    %get3A_4 = arith.constant 0 : index
    %get3A_5 = vector.load %arg2[%get3A_3, %get3A_4] : memref<32x16xf32, #tpu.memory_space<vmem>>, vector<32x16xf32>
    %jit3A = arith.constant 0.000000e+00 : f32
    %broadcast_in_dim3A = vector.broadcast %jit3A : f32 to vector<32x16xf32>
    %select_n3A = arith.select %eq3A_2, %get3A_5, %broadcast_in_dim3A : vector<32x16xi1>, vector<32x16xf32>
    %reduce_sum3A = arith.constant dense<0.000000e+00> : vector<32xf32>
    %reduce_sum3A_6 = vector.multi_reduction <add>, %select_n3A, %reduce_sum3A [1] : vector<32x16xf32> to vector<32xf32>
    %broadcast_in_dim3A_7 = vector.shape_cast %reduce_sum3A_6 : vector<32xf32> to vector<32x1xf32>
    %get3A_8 = arith.constant 0 : index
    %get3A_9 = arith.constant 0 : index
    %get3A_10 = arith.constant 0 : index
    %get3A_11 = vector.load %arg4[%get3A_8, %get3A_9, %get3A_10] : memref<1x2048x512xf32, #tpu.memory_space<vmem>>, vector<1x2048x512xf32>
    %get3A_12 = vector.shape_cast %get3A_11 : vector<1x2048x512xf32> to vector<2048x512xf32>
    %dot_general3A = arith.constant dense<0.000000e+00> : vector<32x512xf32>
    %dot_general3A_13 = tpu.matmul %get3A_1, %get3A_12, %dot_general3A {dimension_numbers = #tpu.dot_dimension_numbers<[1], [0], [0], [1], [0, 0, 1, 1], [], []>, transpose_lhs_hint = false} : vector<32x2048xf32>, vector<2048x512xf32>, vector<32x512xf32> -> vector<32x512xf32>
    %get3A_14 = arith.constant 0 : index
    %get3A_15 = arith.constant 0 : index
    %get3A_16 = arith.constant 0 : index
    %get3A_17 = vector.load %arg5[%get3A_14, %get3A_15, %get3A_16] : memref<1x2048x512xf32, #tpu.memory_space<vmem>>, vector<1x2048x512xf32>
    %get3A_18 = vector.shape_cast %get3A_17 : vector<1x2048x512xf32> to vector<2048x512xf32>
    %dot_general3A_19 = arith.constant dense<0.000000e+00> : vector<32x512xf32>
    %dot_general3A_20 = tpu.matmul %get3A_1, %get3A_18, %dot_general3A_19 {dimension_numbers = #tpu.dot_dimension_numbers<[1], [0], [0], [1], [0, 0, 1, 1], [], []>, transpose_lhs_hint = false} : vector<32x2048xf32>, vector<2048x512xf32>, vector<32x512xf32> -> vector<32x512xf32>
    %mul3A = arith.mulf %dot_general3A_13, %dot_general3A_20 : vector<32x512xf32>
    %logistic3A = arith.negf %mul3A : vector<32x512xf32>
    %logistic3A_21 = math.exp %logistic3A : vector<32x512xf32>
    %logistic3A_22 = arith.constant 1.000000e+00 : f32
    %logistic3A_23 = vector.broadcast %logistic3A_22 : f32 to vector<32x512xf32>
    %logistic3A_24 = arith.addf %logistic3A_23, %logistic3A_21 : vector<32x512xf32>
    %logistic3A_25 = arith.divf %logistic3A_23, %logistic3A_24 : vector<32x512xf32>
    %mul3A_26 = arith.mulf %mul3A, %logistic3A_25 : vector<32x512xf32>
    %mul3A_27 = vector.broadcast %broadcast_in_dim3A_7 : vector<32x1xf32> to vector<32x512xf32>
    %mul3A_28 = arith.mulf %mul3A_27, %mul3A_26 : vector<32x512xf32>
    %get3A_29 = arith.constant 0 : index
    %get3A_30 = arith.constant 0 : index
    %get3A_31 = arith.constant 0 : index
    %get3A_32 = vector.load %arg6[%get3A_29, %get3A_30, %get3A_31] : memref<1x512x2048xf32, #tpu.memory_space<vmem>>, vector<1x512x2048xf32>
    %get3A_33 = vector.shape_cast %get3A_32 : vector<1x512x2048xf32> to vector<512x2048xf32>
    %dot_general3A_34 = arith.constant dense<0.000000e+00> : vector<32x2048xf32>
    %dot_general3A_35 = tpu.matmul %mul3A_28, %get3A_33, %dot_general3A_34 {dimension_numbers = #tpu.dot_dimension_numbers<[1], [0], [0], [1], [0, 0, 1, 1], [], []>, transpose_lhs_hint = false} : vector<32x512xf32>, vector<512x2048xf32>, vector<32x2048xf32> -> vector<32x2048xf32>
    %eq3A_36 = arith.constant 0 : i32
    %eq3A_37 = arith.cmpi eq, %arg0, %eq3A_36 : i32
    %convert_element_type3A = arith.extui %eq3A_37 : i1 to i32
    %cond3A = arith.constant 0 : i32
    %cond3A_38 = arith.cmpi ne, %convert_element_type3A, %cond3A : i32
    scf.if %cond3A_38 {
      %get3A_43 = arith.constant 0 : index
      %get3A_44 = arith.constant 0 : index
      %get3A_45 = vector.load %arg3[%get3A_43, %get3A_44] : memref<32x2048xf32, #tpu.memory_space<vmem>>, vector<32x2048xf32>
      %add3A = arith.addf %get3A_45, %dot_general3A_35 : vector<32x2048xf32>
      %swap3A = arith.constant 0 : index
      %swap3A_46 = arith.constant 0 : index
      %swap3A_47 = vector.load %arg7[%swap3A, %swap3A_46] : memref<32x2048xf32, #tpu.memory_space<vmem>>, vector<32x2048xf32>
      tpu.vector_store %arg7[%swap3A, %swap3A_46], %add3A {strides = array<i32>} : memref<32x2048xf32, #tpu.memory_space<vmem>>, vector<32x2048xf32>,
    } else {
    }
    %gt3A = arith.constant 0 : i32
    %gt3A_39 = arith.cmpi sgt, %arg0, %gt3A : i32
    %convert_element_type3A_40 = arith.extui %gt3A_39 : i1 to i32
    %cond3A_41 = arith.constant 0 : i32
    %cond3A_42 = arith.cmpi ne, %convert_element_type3A_40, %cond3A_41 : i32
    scf.if %cond3A_42 {
      %get3A_43 = arith.constant 0 : index
      %get3A_44 = arith.constant 0 : index
      %get3A_45 = vector.load %arg7[%get3A_43, %get3A_44] : memref<32x2048xf32, #tpu.memory_space<vmem>>, vector<32x2048xf32>
      %add3A = arith.addf %get3A_45, %dot_general3A_35 : vector<32x2048xf32>
      %swap3A = arith.constant 0 : index
      %swap3A_46 = arith.constant 0 : index
      %swap3A_47 = vector.load %arg7[%swap3A, %swap3A_46] : memref<32x2048xf32, #tpu.memory_space<vmem>>, vector<32x2048xf32>
      tpu.vector_store %arg7[%swap3A, %swap3A_46], %add3A {strides = array<i32>} : memref<32x2048xf32, #tpu.memory_space<vmem>>, vector<32x2048xf32>,
    } else {
    }
    return
  }
  func.func @transform_0(%arg0: i32) -> (i32, i32) {
    %c0_i32 = arith.constant 0 : i32
    %c0_i32_0 = arith.constant 0 : i32
    %c0_i32_1 = arith.constant 0 : i32
    return %c0_i32, %c0_i32_0 : i32, i32
  }
  func.func @transform_1(%arg0: i32) -> (i32, i32) {
    %c0_i32 = arith.constant 0 : i32
    %c0_i32_0 = arith.constant 0 : i32
    %c0_i32_1 = arith.constant 0 : i32
    return %c0_i32, %c0_i32_0 : i32, i32
  }
  func.func @transform_2(%arg0: i32) -> (i32, i32) {
    %c0_i32 = arith.constant 0 : i32
    %c0_i32_0 = arith.constant 0 : i32
    %c0_i32_1 = arith.constant 0 : i32
    return %c0_i32, %c0_i32_0 : i32, i32
  }
  func.func @transform_3(%arg0: i32) -> (i32, i32, i32) {
    %c0_i32 = arith.constant 0 : i32
    %c0_i32_0 = arith.constant 0 : i32
    %c0_i32_1 = arith.constant 0 : i32
    return %arg0, %c0_i32, %c0_i32_0 : i32, i32, i32
  }
  func.func @transform_4(%arg0: i32) -> (i32, i32, i32) {
    %c0_i32 = arith.constant 0 : i32
    %c0_i32_0 = arith.constant 0 : i32
    %c0_i32_1 = arith.constant 0 : i32
    return %arg0, %c0_i32, %c0_i32_0 : i32, i32, i32
  }
  func.func @transform_5(%arg0: i32) -> (i32, i32, i32) {
    %c0_i32 = arith.constant 0 : i32
    %c0_i32_0 = arith.constant 0 : i32
    %c0_i32_1 = arith.constant 0 : i32
    return %arg0, %c0_i32, %c0_i32_0 : i32, i32, i32
  }
  func.func @transform_6(%arg0: i32) -> (i32, i32) {
    %c0_i32 = arith.constant 0 : i32
    %c0_i32_0 = arith.constant 0 : i32
    %c0_i32_1 = arith.constant 0 : i32
    return %c0_i32, %c0_i32_0 : i32, i32
  }
}

</mosaic_0001>

<sc_bundles>
// kernel: kernel.6.cloned.1.call-start
scs
__scs_entry_jumppad:
0x0: {  	(pc) =	sbr.rel $0x88, $3  }
0x1: {  	(tag) =	ssettag $0x0;
	lr =	simm.s32 $0x1  }
0x2: {  	[smem:$0x3F98] =	sst lr;
	_ =	strace $0xD0000000  }
0x3: {  	_ = 	snop  }
0x4: {  	_ = 	snop  }
0x5: {  	_ = 	snop  }
0x6: {  	_ = 	snop  }
0x7: {  	_ = 	snop  }
__scs_overlays_trampoline_lowered:
0x8: {  	[smem:$0x3FA7] =	sst s0  }
0x9: {  	[smem:$0x3FA8] =	sst s1  }
0xa: {  	[smem:$0x3FA9] =	sst s2  }
0xb: {  	[smem:$0x3FAA] =	sst s3  }
0xc: {  	[smem:$0x3FAB] =	sst s4  }
0xd: {  	[smem:$0x3FAC] =	sst s5  }
0xe: {  	[smem:$0x3FAD] =	sst s6  }
0xf: {  	[smem:$0x3FAE] =	sst s7  }
0x10: {  	[smem:$0x3FAF] =	sst s8  }
0x11: {  	[smem:$0x3FB0] =	sst s9;
	s0 =	simm.s32 @!p0 $0x0  }
0x12: {  	s1 =	sld [smem:$0x3F96];
	s0 =	simm.s32 @p0 $0x1  }
0x13: {  	[smem:$0x3FB1] =	sst s0;
	s0 =	simm.s32 @!p1 $0x0  }
0x14: {  	s2 =	sld [smem:$0x3F95];
	s0 =	simm.s32 @p1 $0x1  }
0x15: {  	[smem:$0x3FB2] =	sst s0;
	s0 =	simm.s32 @!p2 $0x0  }
0x16: {  	s3 =	sld [smem:$0x3FDB];
	s0 =	simm.s32 @p2 $0x1  }
0x17: {  	s4 =	simm.s32 $0x1BF5;
	[smem:$0x3FB4] =	sst s0  }
0x18: {  	s0 =	sld [smem:$0x3F97];
	_ =	swait.ge [sflag:s4], $0x0  }
0x19: {  	s7 =	sld [smem:$0x3F98]  }
0x1a: {  	s8 =	sadd.s32 $0xFFFFE003, lr  }
0x1b: {  	s9 =	sadd.s32 $0xFFFFFEF7, lr;
	s5 =	simm.s32 $0xFFFFFFFF;
	p2 =	slt.u32 s8, $0xFFFFF086  }
0x1c: {  	p1 =	slt.u32 s9, $0xF7A;
	s5 =	simm.s32 @!p2 $0x0  }
0x1d: {  	s5 =	simm.s32 @p1 $0x1;
	p0 =	seq.s32 s7, s2  }
0x1e: {  	s7 =	smul.u32 @!p0 $0xF7A, s2;
	p2 =	seq.s32 @!p0 s5, $0x0  }
0x1f: {  	s9 =	smul.u32 $0xF7A, s1;
	s8 =	simm.s32 @!p0 $0x1BF5;
	p2 =	por !p2, p0  }
0x20: {  	[sflag:s8] =	ssyncset.s32 @!p0 $0xFFFFF086;
	s6 =	sadd.s32 @!p0 s3, s7;
	s7 =	simm.s32 @!p0 $0x108  }
0x21: {  	s3 =	sadd.s32 s3, s9;
	s6 =	sadd.s32 @!p0 $0x88, s6;
	s7 =	simm.s32 @p2 $0x1082  }
0x22: {  	[simem:s7], [sflag:s8] =	dma.local @!p0 [hbm:s6], $0xF7A  }
0x23: {  	s9 =	sor.u32 $0xD0000000, s2;
	s6 =	simm.s32 $0x108;
	_ =	swait.ge @!p0 [sflag:s8], $0x0  }
0x24: {  	s3 =	sadd.s32 $0x88, s3;
	s6 =	simm.s32 @!p1 $0x1082;
	[sflag:s4] =	ssyncset.s32 $0xFFFFF086  }
0x25: {  	[simem:s6], [sflag:s4] =	dma.local [hbm:s3], $0xF7A  }
0x26: {  	[smem:$0x3F98] =	sst s1;
	(tag) =	ssettag s2;
	_ =	strace s9  }
0x27: {  	s1 =	sld [smem:$0x3FA8]  }
0x28: {  	s2 =	sld [smem:$0x3FA9]  }
0x29: {  	s4 =	sld [smem:$0x3FAB]  }
0x2a: {  	p0 =	seq.s32 s5, $0x0;
	s5 =	sld [smem:$0x3FAC]  }
0x2b: {  	s6 =	sld [smem:$0x3FAD]  }
0x2c: {  	s7 =	sld [smem:$0x3FAE]  }
0x2d: {  	s3 =	simm.s32 $0x108;
	s8 =	sld [smem:$0x3FAF]  }
0x2e: {  	s3 =	simm.s32 @!p0 $0x1082;
	s9 =	sld [smem:$0x3FB0]  }
0x2f: {  	lr =	sadd.s32 s0, s3;
	s0 =	sld [smem:$0x3FA7]  }
0x30: {  	s3 =	sld [smem:$0x3FAA]  }
0x31: {  	[smem:$0x3FB3] =	sst s10  }
0x32: {  	s10 =	sld [smem:$0x3FB1];
	_ =	sdelay $0x3  }
0x33: {  	p0 =	seq.s32 s10, $0x1;
	s10 =	sld [smem:$0x3FB3];
	_ =	sdelay $0x3  }
0x34: {  	[smem:$0x3FB3] =	sst s10  }
0x35: {  	s10 =	sld [smem:$0x3FB2];
	_ =	sdelay $0x3  }
0x36: {  	p1 =	seq.s32 s10, $0x1;
	s10 =	sld [smem:$0x3FB3];
	_ =	sdelay $0x3  }
0x37: {  	[smem:$0x3FB3] =	sst s10  }
0x38: {  	s10 =	sld [smem:$0x3FB4]  }
0x39: {  	_ = 	snop;
	(pc) =	sbr.ind lr, $3  }
0x3a: {  	_ = 	snop  }
0x3b: {  	_ = 	snop  }
0x3c: {  	p2 =	seq.s32 s10, $0x1;
	s10 =	sld [smem:$0x3FB3]  }
0x3d: {  	_ =	shalt  }
0x3e: {  	_ =	shalt  }
0x3f: {  	_ =	shalt  }
0x40: {  	_ =	shalt  }
0x41: {  	_ =	shalt  }
0x42: {  	_ =	shalt  }
0x43: {  	_ =	shalt  }
0x44: {  	_ =	shalt  }
0x45: {  	_ =	shalt  }
0x46: {  	_ =	shalt  }
0x47: {  	_ =	shalt  }
0x48: {  	_ =	shalt  }
0x49: {  	_ =	shalt  }
0x4a: {  	_ =	shalt  }
0x4b: {  	_ =	shalt  }
0x4c: {  	_ =	shalt  }
0x4d: {  	_ =	shalt  }
0x4e: {  	_ =	shalt  }
0x4f: {  	_ =	shalt  }
0x50: {  	_ =	shalt  }
0x51: {  	_ =	shalt  }
0x52: {  	_ =	shalt  }
0x53: {  	_ =	shalt  }
0x54: {  	_ =	shalt  }
0x55: {  	_ =	shalt  }
0x56: {  	_ =	shalt  }
0x57: {  	_ =	shalt  }
0x58: {  	_ =	shalt  }
0x59: {  	_ =	shalt  }
0x5a: {  	_ =	shalt  }
0x5b: {  	_ =	shalt  }
0x5c: {  	_ =	shalt  }
0x5d: {  	_ =	shalt  }
0x5e: {  	_ =	shalt  }
0x5f: {  	_ =	shalt  }
0x60: {  	_ =	shalt  }
0x61: {  	_ =	shalt  }
0x62: {  	_ =	shalt  }
0x63: {  	_ =	shalt  }
0x64: {  	_ =	shalt  }
0x65: {  	_ =	shalt  }
0x66: {  	_ =	shalt  }
0x67: {  	_ =	shalt  }
0x68: {  	_ =	shalt  }
0x69: {  	_ =	shalt  }
0x6a: {  	_ =	shalt  }
0x6b: {  	_ =	shalt  }
0x6c: {  	_ =	shalt  }
0x6d: {  	_ =	shalt  }
0x6e: {  	_ =	shalt  }
0x6f: {  	_ =	shalt  }
0x70: {  	_ =	shalt  }
0x71: {  	_ =	shalt  }
0x72: {  	_ =	shalt  }
0x73: {  	_ =	shalt  }
0x74: {  	_ =	shalt  }
0x75: {  	_ =	shalt  }
0x76: {  	_ =	shalt  }
0x77: {  	_ =	shalt  }
0x78: {  	_ =	shalt  }
0x79: {  	_ =	shalt  }
0x7a: {  	_ =	shalt  }
0x7b: {  	_ =	shalt  }
0x7c: {  	_ =	shalt  }
0x7d: {  	_ =	shalt  }
0x7e: {  	_ =	shalt  }
0x7f: {  	_ =	shalt  }
0x80: {  	_ =	shalt  }
0x81: {  	_ =	shalt  }
0x82: {  	_ =	shalt  }
0x83: {  	_ =	shalt  }
0x84: {  	_ =	shalt  }
0x85: {  	_ =	shalt  }
0x86: {  	_ =	shalt  }
0x87: {  	_ =	shalt  }
.Lfunc_end0:
.L_simem_size_0:
called_computation_lowered:
.L_overlay_start_0:
0x88: {  	s2 =	sld [smem:$0x3FD9]  }
0x89: {  	s3 =	sld [smem:$0x3FFE];
	_ =	sdelay $0x1  }
0x8a: {  	s1 =	srdreg.scid  }
0x8b: {  	s0 =	sand.u32 $0x1, s1  }
0x8c: {  	s14 =	sshll.u32 s0, $0xA;
	s2 =	sadd.s32 s3, s2  }
0x8d: {  	s2 =	sadd.s32 s2, s14  }
0x8e: {  	[smem:$0x3FBF] =	sst s2  }
0x8f: {  	_ = 	snop  }
0x90: {  	s2 =	sld [smem:$0x3FD0];
	_ =	sdelay $0x2  }
0x91: {  	s15 =	simm.s32 $0xA;
	s4 =	simm.s32 $0x10  }
0x92: {  	[smem:s4], [sflag:s15] =	dma.local [hbm:s2], $0x1  }
0x93: {  	_ =	swait.eq [sflag:s15], $0x1  }
0x94: {  	[sflag:s15] =	ssyncset.done $0x0  }
0x95: {  	s16 =	sld [smem:$0x10];
	[sflag:s15] =	ssyncadd.s32 $0xFFFFFFFF  }
0x96: {  	s17 =	sld [smem:$0x11];
	(tm) =	ssettm $0x1  }
0x97: {  	s18 =	sld [smem:$0x3FFB];
	_ =	sdelay $0x3  }
0x98: {  	_ =	strace s18  }
0x99: {  	s4 =	sld [smem:$0x3FFC];
	_ =	sdelay $0x3  }
0x9a: {  	_ =	strace s4  }
0x9b: {  	s4 =	sld [smem:$0x3FFD];
	_ =	sdelay $0x3  }
0x9c: {  	_ =	strace s4  }
0x9d: {  	_ =	strace $0x8FFFFFFF  }
0x9e: {  	s19 =	sld [smem:$0x3FDB];
	_ =	sdelay $0x1  }
0x9f: {  	s5 =	simm.s32 $_scs_section_size  }
0xa0: {  	s6 =	simm.s32 $_size__tile_overlayer_lowered;
	s7 =	simm.s32 $_tile_overlayer_lowered  }
0xa1: {  	s22 =	simm.s32 $0x1BFF;
	s21 =	sshll.u32 s7, $0x1;
	s4 =	sadd.s32 s5, s19  }
0xa2: {  	s8 =	simm.s32 $0x0;
	s20 =	sshll.u32 s6, $0x1;
	s6 =	sadd.s32 s21, s4  }
0xa3: {  	[timem:s8], [sflag:s22] =	dma.local [hbm:s6], s20  }
0xa4: {  	_ =	swait.ge [sflag:s22], s20  }
0xa5: {  	s5 =	ssub.s32 $0x0, s20;
	[sflag:s22] =	ssyncset.done $0x0  }
0xa6: {  	[sflag:s22] =	ssyncadd.s32 s5;
	_ =	sdelay $0x1  }
0xa7: {  	s23 =	simm.s32 $0x1B8B  }
0xa8: {  	_ =	swait.ge [sflag:s23], $0x1  }
0xa9: {  	[sflag:s23] =	ssyncset.done $0x0  }
0xaa: {  	s25 =	simm.s32 $0x1B8E;
	s24 =	sld [smem:$0x3FFE];
	[sflag:s23] =	ssyncadd.s32 $0xFFFFFFFF  }
0xab: {  	s26 =	simm.s32 $execute0_lowered;
	[smem:$0x3FD2] =	sst s25  }
0xac: {  	s6 =	sshll.u32 s26, $0x1;
	_ =	strace $0x80000046;
	[dreg:$0x1] =	wrdreg $0xFFFFFFFF  }
0xad: {  	s28 =	simm.s32 $_size_execute0_lowered;
	s4 =	sadd.s32 s4, s6;
	[dreg:$0x0] =	wrdreg $0x0  }
0xae: {  	s6 =	sshll.u32 s28, $0x1;
	[dreg:$0x2] =	wrdreg s4  }
0xaf: {  	[dreg:$0x3] =	wrdreg s6  }
0xb0: {  	[dreg:$0x4] =	wrdreg $0xC0  }
0xb1: {  	_ =	task [dreg:s8], $0x5FFFF  }
0xb2: {  	[dreg:$0x1] =	wrdreg $0xFFFFFFFF  }
0xb3: {  	[dreg:$0x0] =	wrdreg $0x60  }
0xb4: {  	[dreg:$0x2] =	wrdreg s16  }
0xb5: {  	[dreg:$0x3] =	wrdreg s24  }
0xb6: {  	[dreg:$0x4] =	wrdreg s17  }
0xb7: {  	[dreg:$0x5] =	wrdreg $0x9  }
0xb8: {  	_ =	task.clear_ibuf [dreg:s8], $0x6FFFF;
	_ =	strace $0x90000046  }
0xb9: {  	s29 =	simm.s32 $0x9;
	_ =	strace $0x80000048  }
0xba: {  	_ =	swait.ge [sflag:s29], $0x1  }
0xbb: {  	[sflag:s29] =	ssyncadd.s32 $0xFFFFFFFF  }
0xbc: {  	_ =	strace $0x90000048  }
0xbd: {  	_ =	sfence  }
0xbe: {  	s30 =	sld [smem:$0x0];
	_ =	sdelay $0x2  }
0xbf: {  	s31 =	sshll.u32 s1, $0xD;
	s1 =	sshrl.u32 s1, $0x2  }
0xc0: {  	s3 =	sand.u32 $0x4000, s31;
	s1 =	sadd.s32 s1, s30  }
0xc1: {  	s0 =	sor.u32 s3, s0;
	s1 =	sshll.u32 s1, $0x11  }
0xc2: {  	s0 =	sor.u32 s1, s0  }
0xc3: {  	s0 =	sadd.s32 $0x8F2B, s0  }
0xc4: {  	[sflag:s0] =	ssyncadd.remote.s32 $0x1  }
0xc5: {  	_ =	sfence.sel $0xFFFF  }
0xc6: {  	[dreg:$0x0] =	wrdreg $0xFFFFFFFF;
	(pc) =	sbr.abs _section_cstart, $3  }
0xc7: {  	[dreg:$0x1] =	wrdreg $0xFFFFFFFF  }
0xc8: {  	_ =	task.clear_ibuf [dreg:s8], $0x2FFFF;
	_ =	strace $0x9FFFFFFF  }
0xc9: {  	(tm) =	ssettm $0x7FFFFFFF  }
tec
execute0_lowered:
.L_overlay_start_1:
0x0: {  	(tag) =	ssettag $0x1  }
0x1: {  	s3 =	rddreg [dreg:$0x0]  }
0x2: {  	s9 =	rddreg [dreg:$0x1]  }
0x3: {  	s7 =	rddreg [dreg:$0x2];
	s2 =	srdreg.scid  }
0x4: {  	s0 =	rddreg [dreg:$0x3];
	s1 =	stileid.u32;
	s8 =	sand.u32 $0x1, s2  }
0x5: {  	s2 =	simm.s32 $0x0;
	s4 =	sshll.u32 s1, $0x5;
	s5 =	sshll.u32 s8, $0x4  }
0x6: {  	[smem:$0x7FF] =	sst s2;
	s10 =	sor.u32 s5, s4  }
0x7: {  	_ =	strace $0x80000047;
	s4 =	sadd.s32 s3, s10;
	s3 =	simm.s32 $0x1  }
0x8: {  	[tilespmem:s2], [sflag:$0x1] =	stream.linear.gather [hbm4b:s4+s2], $0x80, $0x38;
	[tilespmem:$0x200] =	vst v63  }
0x9: {  	_ =	swait.ge [sflag:s3], $0x80  }
0xa: {  	[sflag:s3] =	ssyncset.done $0x0  }
0xb: {  	s6 =	simm.s32 $0x80;
	s5 =	sadd.s32 $0x1000, s9;
	[sflag:s3] =	ssyncadd.s32 $0xFFFFFF80  }
0xc: {  	[tilespmem:s6], [sflag:$0x1] =	stream.linear.gather [hbm4b:s5+s2], $0x80, $0x38;
	[tilespmem:$0x200] =	vst v63  }
0xd: {  	_ =	swait.ge [sflag:s3], $0x80  }
0xe: {  	[sflag:s3] =	ssyncset.done $0x0  }
0xf: {  	[sflag:s3] =	ssyncadd.s32 $0xFFFFFF80  }
0x10: {  	v0 =	vld [tilespmem:$0x0];
	_ =	sdelay $0x4  }
0x11: {  	v0 =	vsub.f32 $0.0e+00, v0;
	_ =	sdelay $0x1  }
0x12: {  	v0 =	vmul.f32 $1.442695020e+00, v0;
	_ =	sdelay $0x1  }
0x13: {  	(erf) = vpow2.f32 v0;
	_ =	sdelay $0x8  }
0x14: {  	v0 =	vpop (erf)  }
0x15: {  	v0 =	vadd.f32 $1.000000000e+00, v0;
	_ =	sdelay $0x1  }
0x16: {  	(erf) = vrcp.f32 v0;
	_ =	sdelay $0x4  }
0x17: {  	v0 =	vld [tilespmem:$0x80];
	_ =	sdelay $0x3  }
0x18: {  	v1 =	vpop (erf)  }
0x19: {  	v2 =	vadd.f32 v1, v0  }
0x1a: {  	vm0 =	vmmov $0xff  }
0x1b: {  	v3 =	vnsel vm0, $0xFF800000, v2  }
0x1c: {  	(xrf0) =	vmax.scan.msk.f32 $0xffff, v3;
	_ =	sdelay $0x5  }
0x1d: {  	v4, _, _ =	vpop (xrf0)  }
0x1e: {  	v5 =	vbroadcast v4, $0xF  }
0x1f: {  	v0 =	vlaneseq.u32  }
0x20: {  	v1 =	vor.u32 $0x80000000, v0;
	vm1 =	veq.f32 v3, v5  }
0x21: {  	v6 =	vnsel vm1, $0x80000010, v1  }
0x22: {  	(xrf0) =	vmin.scan.msk.u32 $0xffff, v6;
	_ =	sdelay $0x5  }
0x23: {  	v6, _, _ =	vpop (xrf0)  }
0x24: {  	(v2sf) =	vpush v6, $0xF;
	_ =	sdelay $0xe  }
0x25: {  	s11 =	spop (v2sf)  }
0x26: {  	s11 =	sxor.u32 $0x80000000, s11  }
0x27: {  	v60 =	vmov s11  }
0x28: {  	vm1 =	veq.s32 v60, v0  }
0x29: {  	v3 =	vsel vm1, $0xFF800000, v3  }
0x2a: {  	(xrf0) =	vmax.scan.msk.f32 $0xffff, v3;
	_ =	sdelay $0x5  }
0x2b: {  	v61, _, _ =	vpop (xrf0)  }
0x2c: {  	v7 =	vbroadcast v61, $0xF;
	_ =	sdelay $0x1  }
0x2d: {  	vm2 =	veq.f32 v3, v7  }
0x2e: {  	(v2sf) =	vpush v4, $0xF;
	v3 =	vnsel vm2, $0x80000010, v1  }
0x2f: {  	(v2sf) =	vpush v61, $0xF;
	(xrf0) =	vmin.scan.msk.u32 $0xffff, v3;
	_ =	sdelay $0x5  }
0x30: {  	v3, _, _ =	vpop (xrf0)  }
0x31: {  	(v2sf) =	vpush v3, $0xF;
	_ =	sdelay $0x6  }
0x32: {  	s28 =	spop (v2sf)  }
0x33: {  	s12 =	spop (v2sf)  }
0x34: {  	s11 =	sadd.f32 s12, s28;
	_ =	sdelay $0x1  }
0x35: {  	v3 =	vmov s11  }
0x36: {  	(erf) = vrcp.f32 v3;
	_ =	sdelay $0x2  }
0x37: {  	s29 =	spop (v2sf)  }
0x38: {  	s11 =	sxor.u32 $0x80000000, s29  }
0x39: {  	v3 =	vmov s11  }
0x3a: {  	vm2 =	veq.s32 v3, v0  }
0x3b: {  	v3 =	vnsel vm1, $0x0, v5;
	v62 =	vnsel vm2, $0x0, v7  }
0x3c: {  	v3 =	vadd.f32 v62, v3  }
0x3d: {  	s30 =	ssub.s32 $0x2, s8;
	v63 =	vpop (erf)  }
0x3e: {  	s31 =	sshrl.u32 s30, $0x1;
	v3 =	vmul.f32 v3, v63  }
0x3f: {  	s7 =	sadd.s32 s7, s10;
	s9 =	sadd.s32 s10, s9;
	s10 =	ssub.s32 s30, s31;
	[tilespmem:$0x100] =	vst v2  }
0x40: {  	s8 =	simm.s32 $0x100;
	s11 =	smax.u32 s10, $0x1;
	[tilespmem:$0x180] =	vst v3  }
0x41: {  	[hbm4b:s7+s2] =	stream.linear.scatter [tilespmem:s8], [sflag:$0x1], $0x80, $0x38;
	[tilespmem:$0x200] =	vst v63  }
0x42: {  	p0 =	sne.s32 s11, $0x1;
	_ =	swait.ge [sflag:s3], $0x80  }
.Ltmp0:
0x43: {  	[sflag:s3] =	ssyncset.done $0x0;
	(pc) =	sbr.rel @!p0 .LBB2_2-.Ltmp0, $4  }
0x44: {  	s9 =	sadd.s32 $0x1200, s9;
	s10 =	simm.s32 $0x180;
	[sflag:s3] =	ssyncadd.s32 $0xFFFFFF80  }
0x45: {  	[hbm4b:s9+s2] =	stream.linear.scatter [tilespmem:s10], [sflag:$0x1], $0x80, $0x38;
	[tilespmem:$0x200] =	vst v63  }
0x46: {  	_ =	swait.ge [sflag:s3], $0x80  }
0x47: {  	s11 =	sadd.s32 $0xFFFFFFFF, s11;
	[sflag:s3] =	ssyncset.done $0x0  }
.LBB2_1:
0x48: {  	p0 =	sne.s32 s11, $0x1;
	s11 =	sadd.s32 $0xFFFFFFFF, s11;
	[sflag:s3] =	ssyncadd.s32 $0xFFFFFF80  }
0x49: {  	[tilespmem:s2], [sflag:$0x1] =	stream.linear.gather [hbm4b:s4+s2], $0x80, $0x38;
	[tilespmem:$0x200] =	vst v63  }
0x4a: {  	_ =	swait.ge [sflag:s3], $0x80  }
0x4b: {  	[sflag:s3] =	ssyncset.done $0x0  }
0x4c: {  	[sflag:s3] =	ssyncadd.s32 $0xFFFFFF80  }
0x4d: {  	[tilespmem:s6], [sflag:$0x1] =	stream.linear.gather [hbm4b:s5+s2], $0x80, $0x38;
	[tilespmem:$0x200] =	vst v63  }
0x4e: {  	_ =	swait.ge [sflag:s3], $0x80  }
0x4f: {  	[sflag:s3] =	ssyncset.done $0x0  }
0x50: {  	[sflag:s3] =	ssyncadd.s32 $0xFFFFFF80  }
0x51: {  	v2 =	vld [tilespmem:$0x0];
	_ =	sdelay $0x4  }
0x52: {  	v2 =	vsub.f32 $0.0e+00, v2;
	_ =	sdelay $0x1  }
0x53: {  	v2 =	vmul.f32 $1.442695020e+00, v2;
	_ =	sdelay $0x1  }
0x54: {  	(erf) = vpow2.f32 v2;
	_ =	sdelay $0x8  }
0x55: {  	v2 =	vpop (erf)  }
0x56: {  	v2 =	vadd.f32 $1.000000000e+00, v2;
	_ =	sdelay $0x1  }
0x57: {  	(erf) = vrcp.f32 v2;
	_ =	sdelay $0x4  }
0x58: {  	v2 =	vld [tilespmem:$0x80];
	_ =	sdelay $0x3  }
0x59: {  	v3 =	vpop (erf)  }
0x5a: {  	v2 =	vadd.f32 v3, v2;
	_ =	sdelay $0x1  }
0x5b: {  	[tilespmem:$0x100] =	vst v2;
	v2 =	vnsel vm0, $0xFF800000, v2  }
0x5c: {  	(xrf0) =	vmax.scan.msk.f32 $0xffff, v2;
	_ =	sdelay $0x5  }
0x5d: {  	v3, _, _ =	vpop (xrf0)  }
0x5e: {  	v4 =	vbroadcast v3, $0xF;
	_ =	sdelay $0x1  }
0x5f: {  	vm1 =	veq.f32 v2, v4  }
0x60: {  	v5 =	vnsel vm1, $0x80000010, v1  }
0x61: {  	(xrf0) =	vmin.scan.msk.u32 $0xffff, v5;
	_ =	sdelay $0x5  }
0x62: {  	v5, _, _ =	vpop (xrf0)  }
0x63: {  	(v2sf) =	vpush v5, $0xF;
	_ =	sdelay $0xe  }
0x64: {  	s12 =	spop (v2sf)  }
0x65: {  	s12 =	sxor.u32 $0x80000000, s12  }
0x66: {  	v5 =	vmov s12  }
0x67: {  	vm1 =	veq.s32 v5, v0  }
0x68: {  	v2 =	vsel vm1, $0xFF800000, v2;
	v4 =	vnsel vm1, $0x0, v4  }
0x69: {  	(xrf0) =	vmax.scan.msk.f32 $0xffff, v2;
	_ =	sdelay $0x5  }
0x6a: {  	(v2sf) =	vpush v3, $0xF;
	v3, _, _ =	vpop (xrf0)  }
0x6b: {  	v5 =	vbroadcast v3, $0xF;
	(v2sf) =	vpush v3, $0xF;
	_ =	sdelay $0x1  }
0x6c: {  	vm1 =	veq.f32 v2, v5  }
0x6d: {  	v2 =	vnsel vm1, $0x80000010, v1  }
0x6e: {  	(xrf0) =	vmin.scan.msk.u32 $0xffff, v2;
	_ =	sdelay $0x5  }
0x6f: {  	v2, _, _ =	vpop (xrf0)  }
0x70: {  	(v2sf) =	vpush v2, $0xF;
	_ =	sdelay $0x2  }
0x71: {  	s12 =	spop (v2sf)  }
0x72: {  	s13 =	spop (v2sf)  }
0x73: {  	s12 =	sadd.f32 s13, s12;
	_ =	sdelay $0x1  }
0x74: {  	v2 =	vmov s12;
	_ =	sdelay $0x4  }
0x75: {  	(erf) = vrcp.f32 v2;
	_ =	sdelay $0x2  }
0x76: {  	s12 =	spop (v2sf)  }
0x77: {  	s12 =	sxor.u32 $0x80000000, s12  }
0x78: {  	v2 =	vmov s12  }
0x79: {  	vm1 =	veq.s32 v2, v0  }
0x7a: {  	v2 =	vnsel vm1, $0x0, v5  }
0x7b: {  	v2 =	vadd.f32 v2, v4  }
0x7c: {  	v3 =	vpop (erf)  }
0x7d: {  	v2 =	vmul.f32 v2, v3;
	_ =	sdelay $0x1  }
0x7e: {  	[tilespmem:$0x180] =	vst v2  }
0x7f: {  	[hbm4b:s7+s2] =	stream.linear.scatter [tilespmem:s8], [sflag:$0x1], $0x80, $0x38;
	[tilespmem:$0x200] =	vst v63  }
0x80: {  	_ =	swait.ge [sflag:s3], $0x80  }
.Ltmp1:
0x81: {  	[sflag:s3] =	ssyncset.done $0x0;
	(pc) =	sbr.rel @p0 .LBB2_1-.Ltmp1, $4  }
0x82: {  	[sflag:s3] =	ssyncadd.s32 $0xFFFFFF80  }
0x83: {  	[hbm4b:s9+s2] =	stream.linear.scatter [tilespmem:s10], [sflag:$0x1], $0x80, $0x38;
	[tilespmem:$0x200] =	vst v63  }
0x84: {  	_ =	swait.ge [sflag:s3], $0x80  }
0x85: {  	[sflag:s3] =	ssyncset.done $0x0  }
.LBB2_2:
0x86: {  	[sflag:s3] =	ssyncadd.s32 $0xFFFFFF80  }
0x87: {  	_ =	sfence.sel $0x180000  }
0x88: {  	[bflag:$0x0] =	sbarrier.arrive $0xFFFF  }
0x89: {  	p0 =	sne.s32 s1, $0x0;
	_ =	strace $0x90000047  }
0x8a: {  	s0 =	sadd.s32 @!p0 $0x100000, s0;
	[bflag:$0x2] =	sbarrier.arrive $0xFFFF  }
0x8b: {  	[sflag:s0] =	ssyncadd.tile.s32 @!p0 $0x1;
	_ =	shalt  }
.Lfunc_end2:
_tile_overlayer_lowered:
.L_overlay_start_2:
0x8c: {  	(tag) =	ssettag $0x2  }
0x8d: {  	s0 =	rddreg [dreg:$0x0];
	s2 =	stileid.u32  }
0x8e: {  	s1 =	rddreg [dreg:$0x1];
	p0 =	sne.s32 s2, $0x0  }
0x8f: {  	s3 =	rddreg [dreg:$0x2];
	[bflag:$0x3] =	sbarrier.arrive $0xFFFF;
	s2 =	simm.s32 @!p0 $0x1C01  }
0x90: {  	[timem:s3], [sflag:s2] =	dma.local @!p0 [hbm:s0], s1  }
0x91: {  	s0 =	simm.s32 @!p0 $0x1  }
0x92: {  	_ =	swait.ge @!p0 [sflag:s0], s1  }
0x93: {  	s1 =	ssub.s32 @!p0 $0x0, s1;
	[sflag:s0] =	ssyncset.done @!p0 $0x0  }
0x94: {  	[sflag:s0] =	ssyncadd.s32 @!p0 s1  }
0x95: {  	[bflag:$0x3] =	sbarrier.arrive $0xFFFF  }
0x96: {  	_ =	shalt  }

</sc_bundles>
